<compile_context>
chip_gen: v7x
topology: tpu7x:2x2x1
jax: 0.10.2.dev20260603
libtpu: 0.0.44.dev20260713+nightly
codegen_flags: <defaults>
</compile_context>

<pallas_src>
import functools

import jax
import jax.numpy as jnp
from jax import lax
from jax.experimental import pallas as pl
from jax.experimental.pallas import tpu as pltpu
from jax.experimental.pallas import tpu_sc as plsc

NNODES = 100000
DIM = 128
BATCH = 16384

_info = plsc.get_sparse_core_info()
_NC, _NS = _info.num_cores, _info.num_subcores
_NW = _NC * _NS
_B_PER_W = BATCH // _NW
_CHUNK = 128
_NCHUNK = _B_PER_W // _CHUNK
_NB = 3

_mesh = plsc.VectorSubcoreMesh(core_axis_name="c", subcore_axis_name="s")


@functools.partial(
    pl.kernel,
    mesh=_mesh,
    out_type=(jax.ShapeDtypeStruct((BATCH, DIM), jnp.float32),
              jax.ShapeDtypeStruct((BATCH, DIM), jnp.float32)),
    scratch_types=(
        [pltpu.VMEM((_NCHUNK, _CHUNK), jnp.int32)]
        + [pltpu.VMEM((_CHUNK, DIM), jnp.float32) for _ in range(2 * _NB)]
        + [pltpu.SemaphoreType.DMA for _ in range(4 * _NB)]
    ),
)
def _lookup(idx_hbm, emb1_hbm, emb2_hbm, out1_hbm, out2_hbm, idx_v, *rs):
    bufs1, bufs2 = rs[:_NB], rs[_NB:2 * _NB]
    sems = rs[2 * _NB:]
    g1s, g2s = sems[:_NB], sems[_NB:2 * _NB]
    w1s, w2s = sems[2 * _NB:3 * _NB], sems[3 * _NB:]

    wid = lax.axis_index("s") * _NC + lax.axis_index("c")
    base = wid * _B_PER_W
    pltpu.sync_copy(idx_hbm.at[wid], idx_v)

    gathers = [None] * _NCHUNK
    writes = [None] * _NCHUNK

    def issue_write(c):
        b = c % _NB
        p1, p2 = gathers[c]
        off = base + c * _CHUNK
        p1.wait()
        w1 = pltpu.async_copy(bufs1[b], out1_hbm.at[pl.ds(off, _CHUNK)], w1s[b])
        p2.wait()
        w2 = pltpu.async_copy(bufs2[b], out2_hbm.at[pl.ds(off, _CHUNK)], w2s[b])
        writes[c] = (w1, w2)

    for c in range(_NCHUNK):
        b = c % _NB
        if c >= _NB:
            pw1, pw2 = writes[c - _NB]
            pw1.wait()
            pw2.wait()
        cp1 = pltpu.async_copy(emb1_hbm.at[idx_v.at[c]], bufs1[b], g1s[b])
        cp2 = pltpu.async_copy(emb2_hbm.at[idx_v.at[c]], bufs2[b], g2s[b])
        gathers[c] = (cp1, cp2)
        if c >= 1:
            issue_write(c - 1)

    issue_write(_NCHUNK - 1)
    for c in range(max(0, _NCHUNK - _NB), _NCHUNK):
        pw1, pw2 = writes[c]
        pw1.wait()
        pw2.wait()


def kernel(idx, emb1, emb2):
    idx_r = idx.astype(jnp.int32).reshape(_NW, _NCHUNK, _CHUNK)
    out1, out2 = _lookup(idx_r, emb1, emb2)
    return (out1, out2)

# --- scband reference (transcript-rebuilt; emitter-appended) ---
"""Pipeline reference for scband-node-embedding-32023276159116 (READ-ONLY COPY).

The authoritative reference and input builder live on the scoring server;
editing this copy changes nothing except your own understanding.
"""

import jax, jax.numpy as jnp
import numpy as np

NNODES = 100000
DIM = 128
BATCH = 16384

def setup_inputs(seed: int = 0) -> dict:
    key = jax.random.key(seed)
    k_idx, k_e1, k_e2 = jax.random.split(key, 3)
    idx = jax.random.randint(k_idx, (BATCH,), 0, NNODES, dtype=jnp.int64 if jax.config.jax_enable_x64 else jnp.int32)
    # nn.Embedding default init: N(0, 1)
    emb1 = jax.random.normal(k_e1, (NNODES, DIM), dtype=jnp.float32)
    emb2 = jax.random.normal(k_e2, (NNODES, DIM), dtype=jnp.float32)
    return {"idx": idx, "emb1": emb1, "emb2": emb2}

def reference(idx, emb1, emb2):
    out1 = jnp.take(emb1, idx, axis=0)
    out2 = jnp.take(emb2, idx, axis=0)
    return (out1, out2)

if __name__ == "__main__":
    import jax
    _d = setup_inputs()
    print(jax.jit(kernel)(*tuple(_d.values())))

</pallas_src>

<mosaic_0001>
#map = affine_map<(d0, d1) -> (0, 0, 0)>
#map1 = affine_map<(d0, d1) -> (0, 0)>
module attributes {stable_mosaic.version = 14 : i64} {
  func.func @_lookup(%arg0: i32, %arg1: i32, %arg2: memref<32x4x128xi32, #tpu.memory_space<hbm>>, %arg3: memref<100000x128xf32, #tpu.memory_space<hbm>>, %arg4: memref<100000x128xf32, #tpu.memory_space<hbm>>, %arg5: memref<16384x128xf32, #tpu.memory_space<hbm>>, %arg6: memref<16384x128xf32, #tpu.memory_space<hbm>>, %arg7: memref<4x128xi32, #tpu.memory_space<vmem>>, %arg8: memref<128x128xf32, #tpu.memory_space<vmem>>, %arg9: memref<128x128xf32, #tpu.memory_space<vmem>>, %arg10: memref<128x128xf32, #tpu.memory_space<vmem>>, %arg11: memref<128x128xf32, #tpu.memory_space<vmem>>, %arg12: memref<128x128xf32, #tpu.memory_space<vmem>>, %arg13: memref<128x128xf32, #tpu.memory_space<vmem>>, %arg14: memref<!tpu.dma_semaphore, #tpu.memory_space<semaphore_mem>>, %arg15: memref<!tpu.dma_semaphore, #tpu.memory_space<semaphore_mem>>, %arg16: memref<!tpu.dma_semaphore, #tpu.memory_space<semaphore_mem>>, %arg17: memref<!tpu.dma_semaphore, #tpu.memory_space<semaphore_mem>>, %arg18: memref<!tpu.dma_semaphore, #tpu.memory_space<semaphore_mem>>, %arg19: memref<!tpu.dma_semaphore, #tpu.memory_space<semaphore_mem>>, %arg20: memref<!tpu.dma_semaphore, #tpu.memory_space<semaphore_mem>>, %arg21: memref<!tpu.dma_semaphore, #tpu.memory_space<semaphore_mem>>, %arg22: memref<!tpu.dma_semaphore, #tpu.memory_space<semaphore_mem>>, %arg23: memref<!tpu.dma_semaphore, #tpu.memory_space<semaphore_mem>>, %arg24: memref<!tpu.dma_semaphore, #tpu.memory_space<semaphore_mem>>, %arg25: memref<!tpu.dma_semaphore, #tpu.memory_space<semaphore_mem>>) attributes {dimension_semantics = [#tpu.dimension_semantics<core_parallel>, #tpu.dimension_semantics<subcore_parallel>], iteration_bounds = array<i64: 2, 16>, scalar_prefetch = 0 : i64, scratch_operands = 19 : i64, tpu.core_type = #tpu.core_type<sc_vector_subcore>, window_params = [{transform_indices = #map}, {transform_indices = #map1}, {transform_indices = #map1}, {transform_indices = #map1}, {transform_indices = #map1}]} {
    %mul3A = arith.constant 2 : i32
    %mul3A_0 = arith.muli %arg1, %mul3A : i32
    %add3A = arith.addi %mul3A_0, %arg0 : i32
    %mul3A_1 = arith.constant 512 : i32
    %mul3A_2 = arith.muli %add3A, %mul3A_1 : i32
    "tpu.region"() ({
      %run_scoped3A = tpu.sem_alloc : memref<!tpu.dma_semaphore, #tpu.memory_space<semaphore_mem>>
      %dma_start3A_185 = arith.constant 0 : i32
      %dma_start3A_186 = arith.constant 0 : i32
      %dma_start3A_187 = tpu.memref_slice %arg2[%add3A, %dma_start3A_185, %dma_start3A_186] : memref<32x4x128xi32, #tpu.memory_space<hbm>> -> memref<1x4x128xi32, #tpu.memory_space<hbm>>
      %dma_start3A_188 = tpu.memref_squeeze %dma_start3A_187 : memref<1x4x128xi32, #tpu.memory_space<hbm>> -> memref<4x128xi32, #tpu.memory_space<hbm>>
      %dma_start3A_189 = arith.constant 0 : i32
      %dma_start3A_190 = arith.constant 0 : i32
      %dma_start3A_191 = tpu.memref_slice %arg2[%add3A, %dma_start3A_189, %dma_start3A_190] : memref<32x4x128xi32, #tpu.memory_space<hbm>> -> memref<1x4x128xi32, #tpu.memory_space<hbm>>
      %dma_start3A_192 = tpu.memref_squeeze %dma_start3A_191 : memref<1x4x128xi32, #tpu.memory_space<hbm>> -> memref<4x128xi32, #tpu.memory_space<hbm>>
      tpu.enqueue_dma source(%dma_start3A_192 : memref<4x128xi32, #tpu.memory_space<hbm>>) target(%arg7 : memref<4x128xi32, #tpu.memory_space<vmem>>) target_semaphore(%run_scoped3A : memref<!tpu.dma_semaphore, #tpu.memory_space<semaphore_mem>>)
      %dma_wait3A_193 = arith.constant 0 : i32
      %dma_wait3A_194 = arith.constant 0 : i32
      %dma_wait3A_195 = tpu.memref_slice %arg2[%add3A, %dma_wait3A_193, %dma_wait3A_194] : memref<32x4x128xi32, #tpu.memory_space<hbm>> -> memref<1x4x128xi32, #tpu.memory_space<hbm>>
      %dma_wait3A_196 = tpu.memref_squeeze %dma_wait3A_195 : memref<1x4x128xi32, #tpu.memory_space<hbm>> -> memref<4x128xi32, #tpu.memory_space<hbm>>
      %dma_wait3A_197 = arith.constant 0 : i32
      %dma_wait3A_198 = arith.constant 0 : i32
      %dma_wait3A_199 = tpu.memref_slice %arg2[%add3A, %dma_wait3A_197, %dma_wait3A_198] : memref<32x4x128xi32, #tpu.memory_space<hbm>> -> memref<1x4x128xi32, #tpu.memory_space<hbm>>
      %dma_wait3A_200 = tpu.memref_squeeze %dma_wait3A_199 : memref<1x4x128xi32, #tpu.memory_space<hbm>> -> memref<4x128xi32, #tpu.memory_space<hbm>>
      tpu.wait_dma2 semaphore(%run_scoped3A : memref<!tpu.dma_semaphore, #tpu.memory_space<semaphore_mem>>) src(%dma_wait3A_200 : memref<4x128xi32, #tpu.memory_space<hbm>>) dst(%arg7 : memref<4x128xi32, #tpu.memory_space<vmem>>)
      tpu.yield
    }) : () -> ()
    %dma_start3A = arith.constant 0 : i32
    %dma_start3A_3 = arith.constant 0 : i32
    %dma_start3A_4 = tpu.memref_slice %arg7[%dma_start3A, %dma_start3A_3] : memref<4x128xi32, #tpu.memory_space<vmem>> -> memref<1x128xi32, #tpu.memory_space<vmem>>
    %dma_start3A_5 = tpu.memref_squeeze %dma_start3A_4 : memref<1x128xi32, #tpu.memory_space<vmem>> -> memref<128xi32, #tpu.memory_space<vmem>>
    %dma_start3A_6 = arith.constant 0 : i32
    %dma_start3A_7 = arith.constant 0 : i32
    %dma_start3A_8 = tpu.memref_slice %arg3[%dma_start3A_6, %dma_start3A_7] : memref<100000x128xf32, #tpu.memory_space<hbm>> -> memref<100000x128xf32, #tpu.memory_space<hbm>>
    tpu.enqueue_indirect_dma source(%dma_start3A_8 : memref<100000x128xf32, #tpu.memory_space<hbm>>) target(%arg8 : memref<128x128xf32, #tpu.memory_space<vmem>>) offsets(%dma_start3A_5 : memref<128xi32, #tpu.memory_space<vmem>>) semaphore(%arg14 : memref<!tpu.dma_semaphore, #tpu.memory_space<semaphore_mem>>)
    %dma_start3A_9 = arith.constant 0 : i32
    %dma_start3A_10 = arith.constant 0 : i32
    %dma_start3A_11 = tpu.memref_slice %arg7[%dma_start3A_9, %dma_start3A_10] : memref<4x128xi32, #tpu.memory_space<vmem>> -> memref<1x128xi32, #tpu.memory_space<vmem>>
    %dma_start3A_12 = tpu.memref_squeeze %dma_start3A_11 : memref<1x128xi32, #tpu.memory_space<vmem>> -> memref<128xi32, #tpu.memory_space<vmem>>
    %dma_start3A_13 = arith.constant 0 : i32
    %dma_start3A_14 = arith.constant 0 : i32
    %dma_start3A_15 = tpu.memref_slice %arg4[%dma_start3A_13, %dma_start3A_14] : memref<100000x128xf32, #tpu.memory_space<hbm>> -> memref<100000x128xf32, #tpu.memory_space<hbm>>
    tpu.enqueue_indirect_dma source(%dma_start3A_15 : memref<100000x128xf32, #tpu.memory_space<hbm>>) target(%arg11 : memref<128x128xf32, #tpu.memory_space<vmem>>) offsets(%dma_start3A_12 : memref<128xi32, #tpu.memory_space<vmem>>) semaphore(%arg17 : memref<!tpu.dma_semaphore, #tpu.memory_space<semaphore_mem>>)
    %dma_start3A_16 = arith.constant 1 : i32
    %dma_start3A_17 = arith.constant 0 : i32
    %dma_start3A_18 = tpu.memref_slice %arg7[%dma_start3A_16, %dma_start3A_17] : memref<4x128xi32, #tpu.memory_space<vmem>> -> memref<1x128xi32, #tpu.memory_space<vmem>>
    %dma_start3A_19 = tpu.memref_squeeze %dma_start3A_18 : memref<1x128xi32, #tpu.memory_space<vmem>> -> memref<128xi32, #tpu.memory_space<vmem>>
    %dma_start3A_20 = arith.constant 0 : i32
    %dma_start3A_21 = arith.constant 0 : i32
    %dma_start3A_22 = tpu.memref_slice %arg3[%dma_start3A_20, %dma_start3A_21] : memref<100000x128xf32, #tpu.memory_space<hbm>> -> memref<100000x128xf32, #tpu.memory_space<hbm>>
    tpu.enqueue_indirect_dma source(%dma_start3A_22 : memref<100000x128xf32, #tpu.memory_space<hbm>>) target(%arg9 : memref<128x128xf32, #tpu.memory_space<vmem>>) offsets(%dma_start3A_19 : memref<128xi32, #tpu.memory_space<vmem>>) semaphore(%arg15 : memref<!tpu.dma_semaphore, #tpu.memory_space<semaphore_mem>>)
    %dma_start3A_23 = arith.constant 1 : i32
    %dma_start3A_24 = arith.constant 0 : i32
    %dma_start3A_25 = tpu.memref_slice %arg7[%dma_start3A_23, %dma_start3A_24] : memref<4x128xi32, #tpu.memory_space<vmem>> -> memref<1x128xi32, #tpu.memory_space<vmem>>
    %dma_start3A_26 = tpu.memref_squeeze %dma_start3A_25 : memref<1x128xi32, #tpu.memory_space<vmem>> -> memref<128xi32, #tpu.memory_space<vmem>>
    %dma_start3A_27 = arith.constant 0 : i32
    %dma_start3A_28 = arith.constant 0 : i32
    %dma_start3A_29 = tpu.memref_slice %arg4[%dma_start3A_27, %dma_start3A_28] : memref<100000x128xf32, #tpu.memory_space<hbm>> -> memref<100000x128xf32, #tpu.memory_space<hbm>>
    tpu.enqueue_indirect_dma source(%dma_start3A_29 : memref<100000x128xf32, #tpu.memory_space<hbm>>) target(%arg12 : memref<128x128xf32, #tpu.memory_space<vmem>>) offsets(%dma_start3A_26 : memref<128xi32, #tpu.memory_space<vmem>>) semaphore(%arg18 : memref<!tpu.dma_semaphore, #tpu.memory_space<semaphore_mem>>)
    %add3A_30 = arith.constant 0 : i32
    %add3A_31 = arith.addi %mul3A_2, %add3A_30 : i32
    %dma_wait3A = arith.constant 0 : i32
    %dma_wait3A_32 = arith.constant 0 : i32
    %dma_wait3A_33 = tpu.memref_slice %arg7[%dma_wait3A, %dma_wait3A_32] : memref<4x128xi32, #tpu.memory_space<vmem>> -> memref<1x128xi32, #tpu.memory_space<vmem>>
    %dma_wait3A_34 = tpu.memref_squeeze %dma_wait3A_33 : memref<1x128xi32, #tpu.memory_space<vmem>> -> memref<128xi32, #tpu.memory_space<vmem>>
    %dma_wait3A_35 = arith.constant 0 : i32
    %dma_wait3A_36 = arith.constant 0 : i32
    %dma_wait3A_37 = tpu.memref_slice %arg3[%dma_wait3A_35, %dma_wait3A_36] : memref<100000x128xf32, #tpu.memory_space<hbm>> -> memref<100000x128xf32, #tpu.memory_space<hbm>>
    tpu.wait_indirect_dma semaphore(%arg14 : memref<!tpu.dma_semaphore, #tpu.memory_space<semaphore_mem>>) src(%dma_wait3A_37 : memref<100000x128xf32, #tpu.memory_space<hbm>>) dst(%arg8 : memref<128x128xf32, #tpu.memory_space<vmem>>)
    %dma_start3A_38 = arith.constant 0 : i32
    %dma_start3A_39 = tpu.memref_slice %arg5[%add3A_31, %dma_start3A_38] : memref<16384x128xf32, #tpu.memory_space<hbm>> -> memref<128x128xf32, #tpu.memory_space<hbm>>
    %dma_start3A_40 = arith.constant 0 : i32
    %dma_start3A_41 = tpu.memref_slice %arg5[%add3A_31, %dma_start3A_40] : memref<16384x128xf32, #tpu.memory_space<hbm>> -> memref<128x128xf32, #tpu.memory_space<hbm>>
    tpu.enqueue_dma source(%arg8 : memref<128x128xf32, #tpu.memory_space<vmem>>) target(%dma_start3A_41 : memref<128x128xf32, #tpu.memory_space<hbm>>) target_semaphore(%arg20 : memref<!tpu.dma_semaphore, #tpu.memory_space<semaphore_mem>>)
    %dma_wait3A_42 = arith.constant 0 : i32
    %dma_wait3A_43 = arith.constant 0 : i32
    %dma_wait3A_44 = tpu.memref_slice %arg7[%dma_wait3A_42, %dma_wait3A_43] : memref<4x128xi32, #tpu.memory_space<vmem>> -> memref<1x128xi32, #tpu.memory_space<vmem>>
    %dma_wait3A_45 = tpu.memref_squeeze %dma_wait3A_44 : memref<1x128xi32, #tpu.memory_space<vmem>> -> memref<128xi32, #tpu.memory_space<vmem>>
    %dma_wait3A_46 = arith.constant 0 : i32
    %dma_wait3A_47 = arith.constant 0 : i32
    %dma_wait3A_48 = tpu.memref_slice %arg4[%dma_wait3A_46, %dma_wait3A_47] : memref<100000x128xf32, #tpu.memory_space<hbm>> -> memref<100000x128xf32, #tpu.memory_space<hbm>>
    tpu.wait_indirect_dma semaphore(%arg17 : memref<!tpu.dma_semaphore, #tpu.memory_space<semaphore_mem>>) src(%dma_wait3A_48 : memref<100000x128xf32, #tpu.memory_space<hbm>>) dst(%arg11 : memref<128x128xf32, #tpu.memory_space<vmem>>)
    %dma_start3A_49 = arith.constant 0 : i32
    %dma_start3A_50 = tpu.memref_slice %arg6[%add3A_31, %dma_start3A_49] : memref<16384x128xf32, #tpu.memory_space<hbm>> -> memref<128x128xf32, #tpu.memory_space<hbm>>
    %dma_start3A_51 = arith.constant 0 : i32
    %dma_start3A_52 = tpu.memref_slice %arg6[%add3A_31, %dma_start3A_51] : memref<16384x128xf32, #tpu.memory_space<hbm>> -> memref<128x128xf32, #tpu.memory_space<hbm>>
    tpu.enqueue_dma source(%arg11 : memref<128x128xf32, #tpu.memory_space<vmem>>) target(%dma_start3A_52 : memref<128x128xf32, #tpu.memory_space<hbm>>) target_semaphore(%arg23 : memref<!tpu.dma_semaphore, #tpu.memory_space<semaphore_mem>>)
    %dma_start3A_53 = arith.constant 2 : i32
    %dma_start3A_54 = arith.constant 0 : i32
    %dma_start3A_55 = tpu.memref_slice %arg7[%dma_start3A_53, %dma_start3A_54] : memref<4x128xi32, #tpu.memory_space<vmem>> -> memref<1x128xi32, #tpu.memory_space<vmem>>
    %dma_start3A_56 = tpu.memref_squeeze %dma_start3A_55 : memref<1x128xi32, #tpu.memory_space<vmem>> -> memref<128xi32, #tpu.memory_space<vmem>>
    %dma_start3A_57 = arith.constant 0 : i32
    %dma_start3A_58 = arith.constant 0 : i32
    %dma_start3A_59 = tpu.memref_slice %arg3[%dma_start3A_57, %dma_start3A_58] : memref<100000x128xf32, #tpu.memory_space<hbm>> -> memref<100000x128xf32, #tpu.memory_space<hbm>>
    tpu.enqueue_indirect_dma source(%dma_start3A_59 : memref<100000x128xf32, #tpu.memory_space<hbm>>) target(%arg10 : memref<128x128xf32, #tpu.memory_space<vmem>>) offsets(%dma_start3A_56 : memref<128xi32, #tpu.memory_space<vmem>>) semaphore(%arg16 : memref<!tpu.dma_semaphore, #tpu.memory_space<semaphore_mem>>)
    %dma_start3A_60 = arith.constant 2 : i32
    %dma_start3A_61 = arith.constant 0 : i32
    %dma_start3A_62 = tpu.memref_slice %arg7[%dma_start3A_60, %dma_start3A_61] : memref<4x128xi32, #tpu.memory_space<vmem>> -> memref<1x128xi32, #tpu.memory_space<vmem>>
    %dma_start3A_63 = tpu.memref_squeeze %dma_start3A_62 : memref<1x128xi32, #tpu.memory_space<vmem>> -> memref<128xi32, #tpu.memory_space<vmem>>
    %dma_start3A_64 = arith.constant 0 : i32
    %dma_start3A_65 = arith.constant 0 : i32
    %dma_start3A_66 = tpu.memref_slice %arg4[%dma_start3A_64, %dma_start3A_65] : memref<100000x128xf32, #tpu.memory_space<hbm>> -> memref<100000x128xf32, #tpu.memory_space<hbm>>
    tpu.enqueue_indirect_dma source(%dma_start3A_66 : memref<100000x128xf32, #tpu.memory_space<hbm>>) target(%arg13 : memref<128x128xf32, #tpu.memory_space<vmem>>) offsets(%dma_start3A_63 : memref<128xi32, #tpu.memory_space<vmem>>) semaphore(%arg19 : memref<!tpu.dma_semaphore, #tpu.memory_space<semaphore_mem>>)
    %add3A_67 = arith.constant 128 : i32
    %add3A_68 = arith.addi %mul3A_2, %add3A_67 : i32
    %dma_wait3A_69 = arith.constant 1 : i32
    %dma_wait3A_70 = arith.constant 0 : i32
    %dma_wait3A_71 = tpu.memref_slice %arg7[%dma_wait3A_69, %dma_wait3A_70] : memref<4x128xi32, #tpu.memory_space<vmem>> -> memref<1x128xi32, #tpu.memory_space<vmem>>
    %dma_wait3A_72 = tpu.memref_squeeze %dma_wait3A_71 : memref<1x128xi32, #tpu.memory_space<vmem>> -> memref<128xi32, #tpu.memory_space<vmem>>
    %dma_wait3A_73 = arith.constant 0 : i32
    %dma_wait3A_74 = arith.constant 0 : i32
    %dma_wait3A_75 = tpu.memref_slice %arg3[%dma_wait3A_73, %dma_wait3A_74] : memref<100000x128xf32, #tpu.memory_space<hbm>> -> memref<100000x128xf32, #tpu.memory_space<hbm>>
    tpu.wait_indirect_dma semaphore(%arg15 : memref<!tpu.dma_semaphore, #tpu.memory_space<semaphore_mem>>) src(%dma_wait3A_75 : memref<100000x128xf32, #tpu.memory_space<hbm>>) dst(%arg9 : memref<128x128xf32, #tpu.memory_space<vmem>>)
    %dma_start3A_76 = arith.constant 0 : i32
    %dma_start3A_77 = tpu.memref_slice %arg5[%add3A_68, %dma_start3A_76] : memref<16384x128xf32, #tpu.memory_space<hbm>> -> memref<128x128xf32, #tpu.memory_space<hbm>>
    %dma_start3A_78 = arith.constant 0 : i32
    %dma_start3A_79 = tpu.memref_slice %arg5[%add3A_68, %dma_start3A_78] : memref<16384x128xf32, #tpu.memory_space<hbm>> -> memref<128x128xf32, #tpu.memory_space<hbm>>
    tpu.enqueue_dma source(%arg9 : memref<128x128xf32, #tpu.memory_space<vmem>>) target(%dma_start3A_79 : memref<128x128xf32, #tpu.memory_space<hbm>>) target_semaphore(%arg21 : memref<!tpu.dma_semaphore, #tpu.memory_space<semaphore_mem>>)
    %dma_wait3A_80 = arith.constant 1 : i32
    %dma_wait3A_81 = arith.constant 0 : i32
    %dma_wait3A_82 = tpu.memref_slice %arg7[%dma_wait3A_80, %dma_wait3A_81] : memref<4x128xi32, #tpu.memory_space<vmem>> -> memref<1x128xi32, #tpu.memory_space<vmem>>
    %dma_wait3A_83 = tpu.memref_squeeze %dma_wait3A_82 : memref<1x128xi32, #tpu.memory_space<vmem>> -> memref<128xi32, #tpu.memory_space<vmem>>
    %dma_wait3A_84 = arith.constant 0 : i32
    %dma_wait3A_85 = arith.constant 0 : i32
    %dma_wait3A_86 = tpu.memref_slice %arg4[%dma_wait3A_84, %dma_wait3A_85] : memref<100000x128xf32, #tpu.memory_space<hbm>> -> memref<100000x128xf32, #tpu.memory_space<hbm>>
    tpu.wait_indirect_dma semaphore(%arg18 : memref<!tpu.dma_semaphore, #tpu.memory_space<semaphore_mem>>) src(%dma_wait3A_86 : memref<100000x128xf32, #tpu.memory_space<hbm>>) dst(%arg12 : memref<128x128xf32, #tpu.memory_space<vmem>>)
    %dma_start3A_87 = arith.constant 0 : i32
    %dma_start3A_88 = tpu.memref_slice %arg6[%add3A_68, %dma_start3A_87] : memref<16384x128xf32, #tpu.memory_space<hbm>> -> memref<128x128xf32, #tpu.memory_space<hbm>>
    %dma_start3A_89 = arith.constant 0 : i32
    %dma_start3A_90 = tpu.memref_slice %arg6[%add3A_68, %dma_start3A_89] : memref<16384x128xf32, #tpu.memory_space<hbm>> -> memref<128x128xf32, #tpu.memory_space<hbm>>
    tpu.enqueue_dma source(%arg12 : memref<128x128xf32, #tpu.memory_space<vmem>>) target(%dma_start3A_90 : memref<128x128xf32, #tpu.memory_space<hbm>>) target_semaphore(%arg24 : memref<!tpu.dma_semaphore, #tpu.memory_space<semaphore_mem>>)
    %dma_wait3A_91 = arith.constant 0 : i32
    %dma_wait3A_92 = tpu.memref_slice %arg5[%add3A_31, %dma_wait3A_91] : memref<16384x128xf32, #tpu.memory_space<hbm>> -> memref<128x128xf32, #tpu.memory_space<hbm>>
    %dma_wait3A_93 = arith.constant 0 : i32
    %dma_wait3A_94 = tpu.memref_slice %arg5[%add3A_31, %dma_wait3A_93] : memref<16384x128xf32, #tpu.memory_space<hbm>> -> memref<128x128xf32, #tpu.memory_space<hbm>>
    tpu.wait_dma2 semaphore(%arg20 : memref<!tpu.dma_semaphore, #tpu.memory_space<semaphore_mem>>) src(%arg8 : memref<128x128xf32, #tpu.memory_space<vmem>>) dst(%dma_wait3A_94 : memref<128x128xf32, #tpu.memory_space<hbm>>)
    %dma_wait3A_95 = arith.constant 0 : i32
    %dma_wait3A_96 = tpu.memref_slice %arg6[%add3A_31, %dma_wait3A_95] : memref<16384x128xf32, #tpu.memory_space<hbm>> -> memref<128x128xf32, #tpu.memory_space<hbm>>
    %dma_wait3A_97 = arith.constant 0 : i32
    %dma_wait3A_98 = tpu.memref_slice %arg6[%add3A_31, %dma_wait3A_97] : memref<16384x128xf32, #tpu.memory_space<hbm>> -> memref<128x128xf32, #tpu.memory_space<hbm>>
    tpu.wait_dma2 semaphore(%arg23 : memref<!tpu.dma_semaphore, #tpu.memory_space<semaphore_mem>>) src(%arg11 : memref<128x128xf32, #tpu.memory_space<vmem>>) dst(%dma_wait3A_98 : memref<128x128xf32, #tpu.memory_space<hbm>>)
    %dma_start3A_99 = arith.constant 3 : i32
    %dma_start3A_100 = arith.constant 0 : i32
    %dma_start3A_101 = tpu.memref_slice %arg7[%dma_start3A_99, %dma_start3A_100] : memref<4x128xi32, #tpu.memory_space<vmem>> -> memref<1x128xi32, #tpu.memory_space<vmem>>
    %dma_start3A_102 = tpu.memref_squeeze %dma_start3A_101 : memref<1x128xi32, #tpu.memory_space<vmem>> -> memref<128xi32, #tpu.memory_space<vmem>>
    %dma_start3A_103 = arith.constant 0 : i32
    %dma_start3A_104 = arith.constant 0 : i32
    %dma_start3A_105 = tpu.memref_slice %arg3[%dma_start3A_103, %dma_start3A_104] : memref<100000x128xf32, #tpu.memory_space<hbm>> -> memref<100000x128xf32, #tpu.memory_space<hbm>>
    tpu.enqueue_indirect_dma source(%dma_start3A_105 : memref<100000x128xf32, #tpu.memory_space<hbm>>) target(%arg8 : memref<128x128xf32, #tpu.memory_space<vmem>>) offsets(%dma_start3A_102 : memref<128xi32, #tpu.memory_space<vmem>>) semaphore(%arg14 : memref<!tpu.dma_semaphore, #tpu.memory_space<semaphore_mem>>)
    %dma_start3A_106 = arith.constant 3 : i32
    %dma_start3A_107 = arith.constant 0 : i32
    %dma_start3A_108 = tpu.memref_slice %arg7[%dma_start3A_106, %dma_start3A_107] : memref<4x128xi32, #tpu.memory_space<vmem>> -> memref<1x128xi32, #tpu.memory_space<vmem>>
    %dma_start3A_109 = tpu.memref_squeeze %dma_start3A_108 : memref<1x128xi32, #tpu.memory_space<vmem>> -> memref<128xi32, #tpu.memory_space<vmem>>
    %dma_start3A_110 = arith.constant 0 : i32
    %dma_start3A_111 = arith.constant 0 : i32
    %dma_start3A_112 = tpu.memref_slice %arg4[%dma_start3A_110, %dma_start3A_111] : memref<100000x128xf32, #tpu.memory_space<hbm>> -> memref<100000x128xf32, #tpu.memory_space<hbm>>
    tpu.enqueue_indirect_dma source(%dma_start3A_112 : memref<100000x128xf32, #tpu.memory_space<hbm>>) target(%arg11 : memref<128x128xf32, #tpu.memory_space<vmem>>) offsets(%dma_start3A_109 : memref<128xi32, #tpu.memory_space<vmem>>) semaphore(%arg17 : memref<!tpu.dma_semaphore, #tpu.memory_space<semaphore_mem>>)
    %add3A_113 = arith.constant 256 : i32
    %add3A_114 = arith.addi %mul3A_2, %add3A_113 : i32
    %dma_wait3A_115 = arith.constant 2 : i32
    %dma_wait3A_116 = arith.constant 0 : i32
    %dma_wait3A_117 = tpu.memref_slice %arg7[%dma_wait3A_115, %dma_wait3A_116] : memref<4x128xi32, #tpu.memory_space<vmem>> -> memref<1x128xi32, #tpu.memory_space<vmem>>
    %dma_wait3A_118 = tpu.memref_squeeze %dma_wait3A_117 : memref<1x128xi32, #tpu.memory_space<vmem>> -> memref<128xi32, #tpu.memory_space<vmem>>
    %dma_wait3A_119 = arith.constant 0 : i32
    %dma_wait3A_120 = arith.constant 0 : i32
    %dma_wait3A_121 = tpu.memref_slice %arg3[%dma_wait3A_119, %dma_wait3A_120] : memref<100000x128xf32, #tpu.memory_space<hbm>> -> memref<100000x128xf32, #tpu.memory_space<hbm>>
    tpu.wait_indirect_dma semaphore(%arg16 : memref<!tpu.dma_semaphore, #tpu.memory_space<semaphore_mem>>) src(%dma_wait3A_121 : memref<100000x128xf32, #tpu.memory_space<hbm>>) dst(%arg10 : memref<128x128xf32, #tpu.memory_space<vmem>>)
    %dma_start3A_122 = arith.constant 0 : i32
    %dma_start3A_123 = tpu.memref_slice %arg5[%add3A_114, %dma_start3A_122] : memref<16384x128xf32, #tpu.memory_space<hbm>> -> memref<128x128xf32, #tpu.memory_space<hbm>>
    %dma_start3A_124 = arith.constant 0 : i32
    %dma_start3A_125 = tpu.memref_slice %arg5[%add3A_114, %dma_start3A_124] : memref<16384x128xf32, #tpu.memory_space<hbm>> -> memref<128x128xf32, #tpu.memory_space<hbm>>
    tpu.enqueue_dma source(%arg10 : memref<128x128xf32, #tpu.memory_space<vmem>>) target(%dma_start3A_125 : memref<128x128xf32, #tpu.memory_space<hbm>>) target_semaphore(%arg22 : memref<!tpu.dma_semaphore, #tpu.memory_space<semaphore_mem>>)
    %dma_wait3A_126 = arith.constant 2 : i32
    %dma_wait3A_127 = arith.constant 0 : i32
    %dma_wait3A_128 = tpu.memref_slice %arg7[%dma_wait3A_126, %dma_wait3A_127] : memref<4x128xi32, #tpu.memory_space<vmem>> -> memref<1x128xi32, #tpu.memory_space<vmem>>
    %dma_wait3A_129 = tpu.memref_squeeze %dma_wait3A_128 : memref<1x128xi32, #tpu.memory_space<vmem>> -> memref<128xi32, #tpu.memory_space<vmem>>
    %dma_wait3A_130 = arith.constant 0 : i32
    %dma_wait3A_131 = arith.constant 0 : i32
    %dma_wait3A_132 = tpu.memref_slice %arg4[%dma_wait3A_130, %dma_wait3A_131] : memref<100000x128xf32, #tpu.memory_space<hbm>> -> memref<100000x128xf32, #tpu.memory_space<hbm>>
    tpu.wait_indirect_dma semaphore(%arg19 : memref<!tpu.dma_semaphore, #tpu.memory_space<semaphore_mem>>) src(%dma_wait3A_132 : memref<100000x128xf32, #tpu.memory_space<hbm>>) dst(%arg13 : memref<128x128xf32, #tpu.memory_space<vmem>>)
    %dma_start3A_133 = arith.constant 0 : i32
    %dma_start3A_134 = tpu.memref_slice %arg6[%add3A_114, %dma_start3A_133] : memref<16384x128xf32, #tpu.memory_space<hbm>> -> memref<128x128xf32, #tpu.memory_space<hbm>>
    %dma_start3A_135 = arith.constant 0 : i32
    %dma_start3A_136 = tpu.memref_slice %arg6[%add3A_114, %dma_start3A_135] : memref<16384x128xf32, #tpu.memory_space<hbm>> -> memref<128x128xf32, #tpu.memory_space<hbm>>
    tpu.enqueue_dma source(%arg13 : memref<128x128xf32, #tpu.memory_space<vmem>>) target(%dma_start3A_136 : memref<128x128xf32, #tpu.memory_space<hbm>>) target_semaphore(%arg25 : memref<!tpu.dma_semaphore, #tpu.memory_space<semaphore_mem>>)
    %add3A_137 = arith.constant 384 : i32
    %add3A_138 = arith.addi %mul3A_2, %add3A_137 : i32
    %dma_wait3A_139 = arith.constant 3 : i32
    %dma_wait3A_140 = arith.constant 0 : i32
    %dma_wait3A_141 = tpu.memref_slice %arg7[%dma_wait3A_139, %dma_wait3A_140] : memref<4x128xi32, #tpu.memory_space<vmem>> -> memref<1x128xi32, #tpu.memory_space<vmem>>
    %dma_wait3A_142 = tpu.memref_squeeze %dma_wait3A_141 : memref<1x128xi32, #tpu.memory_space<vmem>> -> memref<128xi32, #tpu.memory_space<vmem>>
    %dma_wait3A_143 = arith.constant 0 : i32
    %dma_wait3A_144 = arith.constant 0 : i32
    %dma_wait3A_145 = tpu.memref_slice %arg3[%dma_wait3A_143, %dma_wait3A_144] : memref<100000x128xf32, #tpu.memory_space<hbm>> -> memref<100000x128xf32, #tpu.memory_space<hbm>>
    tpu.wait_indirect_dma semaphore(%arg14 : memref<!tpu.dma_semaphore, #tpu.memory_space<semaphore_mem>>) src(%dma_wait3A_145 : memref<100000x128xf32, #tpu.memory_space<hbm>>) dst(%arg8 : memref<128x128xf32, #tpu.memory_space<vmem>>)
    %dma_start3A_146 = arith.constant 0 : i32
    %dma_start3A_147 = tpu.memref_slice %arg5[%add3A_138, %dma_start3A_146] : memref<16384x128xf32, #tpu.memory_space<hbm>> -> memref<128x128xf32, #tpu.memory_space<hbm>>
    %dma_start3A_148 = arith.constant 0 : i32
    %dma_start3A_149 = tpu.memref_slice %arg5[%add3A_138, %dma_start3A_148] : memref<16384x128xf32, #tpu.memory_space<hbm>> -> memref<128x128xf32, #tpu.memory_space<hbm>>
    tpu.enqueue_dma source(%arg8 : memref<128x128xf32, #tpu.memory_space<vmem>>) target(%dma_start3A_149 : memref<128x128xf32, #tpu.memory_space<hbm>>) target_semaphore(%arg20 : memref<!tpu.dma_semaphore, #tpu.memory_space<semaphore_mem>>)
    %dma_wait3A_150 = arith.constant 3 : i32
    %dma_wait3A_151 = arith.constant 0 : i32
    %dma_wait3A_152 = tpu.memref_slice %arg7[%dma_wait3A_150, %dma_wait3A_151] : memref<4x128xi32, #tpu.memory_space<vmem>> -> memref<1x128xi32, #tpu.memory_space<vmem>>
    %dma_wait3A_153 = tpu.memref_squeeze %dma_wait3A_152 : memref<1x128xi32, #tpu.memory_space<vmem>> -> memref<128xi32, #tpu.memory_space<vmem>>
    %dma_wait3A_154 = arith.constant 0 : i32
    %dma_wait3A_155 = arith.constant 0 : i32
    %dma_wait3A_156 = tpu.memref_slice %arg4[%dma_wait3A_154, %dma_wait3A_155] : memref<100000x128xf32, #tpu.memory_space<hbm>> -> memref<100000x128xf32, #tpu.memory_space<hbm>>
    tpu.wait_indirect_dma semaphore(%arg17 : memref<!tpu.dma_semaphore, #tpu.memory_space<semaphore_mem>>) src(%dma_wait3A_156 : memref<100000x128xf32, #tpu.memory_space<hbm>>) dst(%arg11 : memref<128x128xf32, #tpu.memory_space<vmem>>)
    %dma_start3A_157 = arith.constant 0 : i32
    %dma_start3A_158 = tpu.memref_slice %arg6[%add3A_138, %dma_start3A_157] : memref<16384x128xf32, #tpu.memory_space<hbm>> -> memref<128x128xf32, #tpu.memory_space<hbm>>
    %dma_start3A_159 = arith.constant 0 : i32
    %dma_start3A_160 = tpu.memref_slice %arg6[%add3A_138, %dma_start3A_159] : memref<16384x128xf32, #tpu.memory_space<hbm>> -> memref<128x128xf32, #tpu.memory_space<hbm>>
    tpu.enqueue_dma source(%arg11 : memref<128x128xf32, #tpu.memory_space<vmem>>) target(%dma_start3A_160 : memref<128x128xf32, #tpu.memory_space<hbm>>) target_semaphore(%arg23 : memref<!tpu.dma_semaphore, #tpu.memory_space<semaphore_mem>>)
    %dma_wait3A_161 = arith.constant 0 : i32
    %dma_wait3A_162 = tpu.memref_slice %arg5[%add3A_68, %dma_wait3A_161] : memref<16384x128xf32, #tpu.memory_space<hbm>> -> memref<128x128xf32, #tpu.memory_space<hbm>>
    %dma_wait3A_163 = arith.constant 0 : i32
    %dma_wait3A_164 = tpu.memref_slice %arg5[%add3A_68, %dma_wait3A_163] : memref<16384x128xf32, #tpu.memory_space<hbm>> -> memref<128x128xf32, #tpu.memory_space<hbm>>
    tpu.wait_dma2 semaphore(%arg21 : memref<!tpu.dma_semaphore, #tpu.memory_space<semaphore_mem>>) src(%arg9 : memref<128x128xf32, #tpu.memory_space<vmem>>) dst(%dma_wait3A_164 : memref<128x128xf32, #tpu.memory_space<hbm>>)
    %dma_wait3A_165 = arith.constant 0 : i32
    %dma_wait3A_166 = tpu.memref_slice %arg6[%add3A_68, %dma_wait3A_165] : memref<16384x128xf32, #tpu.memory_space<hbm>> -> memref<128x128xf32, #tpu.memory_space<hbm>>
    %dma_wait3A_167 = arith.constant 0 : i32
    %dma_wait3A_168 = tpu.memref_slice %arg6[%add3A_68, %dma_wait3A_167] : memref<16384x128xf32, #tpu.memory_space<hbm>> -> memref<128x128xf32, #tpu.memory_space<hbm>>
    tpu.wait_dma2 semaphore(%arg24 : memref<!tpu.dma_semaphore, #tpu.memory_space<semaphore_mem>>) src(%arg12 : memref<128x128xf32, #tpu.memory_space<vmem>>) dst(%dma_wait3A_168 : memref<128x128xf32, #tpu.memory_space<hbm>>)
    %dma_wait3A_169 = arith.constant 0 : i32
    %dma_wait3A_170 = tpu.memref_slice %arg5[%add3A_114, %dma_wait3A_169] : memref<16384x128xf32, #tpu.memory_space<hbm>> -> memref<128x128xf32, #tpu.memory_space<hbm>>
    %dma_wait3A_171 = arith.constant 0 : i32
    %dma_wait3A_172 = tpu.memref_slice %arg5[%add3A_114, %dma_wait3A_171] : memref<16384x128xf32, #tpu.memory_space<hbm>> -> memref<128x128xf32, #tpu.memory_space<hbm>>
    tpu.wait_dma2 semaphore(%arg22 : memref<!tpu.dma_semaphore, #tpu.memory_space<semaphore_mem>>) src(%arg10 : memref<128x128xf32, #tpu.memory_space<vmem>>) dst(%dma_wait3A_172 : memref<128x128xf32, #tpu.memory_space<hbm>>)
    %dma_wait3A_173 = arith.constant 0 : i32
    %dma_wait3A_174 = tpu.memref_slice %arg6[%add3A_114, %dma_wait3A_173] : memref<16384x128xf32, #tpu.memory_space<hbm>> -> memref<128x128xf32, #tpu.memory_space<hbm>>
    %dma_wait3A_175 = arith.constant 0 : i32
    %dma_wait3A_176 = tpu.memref_slice %arg6[%add3A_114, %dma_wait3A_175] : memref<16384x128xf32, #tpu.memory_space<hbm>> -> memref<128x128xf32, #tpu.memory_space<hbm>>
    tpu.wait_dma2 semaphore(%arg25 : memref<!tpu.dma_semaphore, #tpu.memory_space<semaphore_mem>>) src(%arg13 : memref<128x128xf32, #tpu.memory_space<vmem>>) dst(%dma_wait3A_176 : memref<128x128xf32, #tpu.memory_space<hbm>>)
    %dma_wait3A_177 = arith.constant 0 : i32
    %dma_wait3A_178 = tpu.memref_slice %arg5[%add3A_138, %dma_wait3A_177] : memref<16384x128xf32, #tpu.memory_space<hbm>> -> memref<128x128xf32, #tpu.memory_space<hbm>>
    %dma_wait3A_179 = arith.constant 0 : i32
    %dma_wait3A_180 = tpu.memref_slice %arg5[%add3A_138, %dma_wait3A_179] : memref<16384x128xf32, #tpu.memory_space<hbm>> -> memref<128x128xf32, #tpu.memory_space<hbm>>
    tpu.wait_dma2 semaphore(%arg20 : memref<!tpu.dma_semaphore, #tpu.memory_space<semaphore_mem>>) src(%arg8 : memref<128x128xf32, #tpu.memory_space<vmem>>) dst(%dma_wait3A_180 : memref<128x128xf32, #tpu.memory_space<hbm>>)
    %dma_wait3A_181 = arith.constant 0 : i32
    %dma_wait3A_182 = tpu.memref_slice %arg6[%add3A_138, %dma_wait3A_181] : memref<16384x128xf32, #tpu.memory_space<hbm>> -> memref<128x128xf32, #tpu.memory_space<hbm>>
    %dma_wait3A_183 = arith.constant 0 : i32
    %dma_wait3A_184 = tpu.memref_slice %arg6[%add3A_138, %dma_wait3A_183] : memref<16384x128xf32, #tpu.memory_space<hbm>> -> memref<128x128xf32, #tpu.memory_space<hbm>>
    tpu.wait_dma2 semaphore(%arg23 : memref<!tpu.dma_semaphore, #tpu.memory_space<semaphore_mem>>) src(%arg11 : memref<128x128xf32, #tpu.memory_space<vmem>>) dst(%dma_wait3A_184 : memref<128x128xf32, #tpu.memory_space<hbm>>)
    return
  }
}

</mosaic_0001>

<sc_bundles>
// kernel: kernel.3.cloned.1.call-start
scs
__scs_entry_jumppad:
0x0: {  	(pc) =	sbr.rel $0x88, $3  }
0x1: {  	(tag) =	ssettag $0x0;
	lr =	simm.s32 $0x1  }
0x2: {  	[smem:$0x3F9E] =	sst lr;
	_ =	strace $0xD0000000  }
0x3: {  	_ = 	snop  }
0x4: {  	_ = 	snop  }
0x5: {  	_ = 	snop  }
0x6: {  	_ = 	snop  }
0x7: {  	_ = 	snop  }
__scs_overlays_trampoline_lowered:
0x8: {  	[smem:$0x3FAD] =	sst s0  }
0x9: {  	[smem:$0x3FAE] =	sst s1  }
0xa: {  	[smem:$0x3FAF] =	sst s2  }
0xb: {  	[smem:$0x3FB0] =	sst s3  }
0xc: {  	[smem:$0x3FB1] =	sst s4  }
0xd: {  	[smem:$0x3FB2] =	sst s5  }
0xe: {  	[smem:$0x3FB3] =	sst s6  }
0xf: {  	[smem:$0x3FB4] =	sst s7  }
0x10: {  	[smem:$0x3FB5] =	sst s8  }
0x11: {  	[smem:$0x3FB6] =	sst s9;
	s0 =	simm.s32 @!p0 $0x0  }
0x12: {  	s1 =	sld [smem:$0x3F9C];
	s0 =	simm.s32 @p0 $0x1  }
0x13: {  	[smem:$0x3FB7] =	sst s0;
	s0 =	simm.s32 @!p1 $0x0  }
0x14: {  	s2 =	sld [smem:$0x3F9B];
	s0 =	simm.s32 @p1 $0x1  }
0x15: {  	[smem:$0x3FB8] =	sst s0;
	s0 =	simm.s32 @!p2 $0x0  }
0x16: {  	s3 =	sld [smem:$0x3FDB];
	s0 =	simm.s32 @p2 $0x1  }
0x17: {  	s4 =	simm.s32 $0x1BF5;
	[smem:$0x3FBA] =	sst s0  }
0x18: {  	s0 =	sld [smem:$0x3F9D];
	_ =	swait.ge [sflag:s4], $0x0  }
0x19: {  	s7 =	sld [smem:$0x3F9E]  }
0x1a: {  	s8 =	sadd.s32 $0xFFFFE003, lr  }
0x1b: {  	s9 =	sadd.s32 $0xFFFFFEF7, lr;
	s5 =	simm.s32 $0xFFFFFFFF;
	p2 =	slt.u32 s8, $0xFFFFF086  }
0x1c: {  	p1 =	slt.u32 s9, $0xF7A;
	s5 =	simm.s32 @!p2 $0x0  }
0x1d: {  	s5 =	simm.s32 @p1 $0x1;
	p0 =	seq.s32 s7, s2  }
0x1e: {  	s7 =	smul.u32 @!p0 $0xF7A, s2;
	p2 =	seq.s32 @!p0 s5, $0x0  }
0x1f: {  	s9 =	smul.u32 $0xF7A, s1;
	s8 =	simm.s32 @!p0 $0x1BF5;
	p2 =	por !p2, p0  }
0x20: {  	[sflag:s8] =	ssyncset.s32 @!p0 $0xFFFFF086;
	s6 =	sadd.s32 @!p0 s3, s7;
	s7 =	simm.s32 @!p0 $0x108  }
0x21: {  	s3 =	sadd.s32 s3, s9;
	s6 =	sadd.s32 @!p0 $0x88, s6;
	s7 =	simm.s32 @p2 $0x1082  }
0x22: {  	[simem:s7], [sflag:s8] =	dma.local @!p0 [hbm:s6], $0xF7A  }
0x23: {  	s9 =	sor.u32 $0xD0000000, s2;
	s6 =	simm.s32 $0x108;
	_ =	swait.ge @!p0 [sflag:s8], $0x0  }
0x24: {  	s3 =	sadd.s32 $0x88, s3;
	s6 =	simm.s32 @!p1 $0x1082;
	[sflag:s4] =	ssyncset.s32 $0xFFFFF086  }
0x25: {  	[simem:s6], [sflag:s4] =	dma.local [hbm:s3], $0xF7A  }
0x26: {  	[smem:$0x3F9E] =	sst s1;
	(tag) =	ssettag s2;
	_ =	strace s9  }
0x27: {  	s1 =	sld [smem:$0x3FAE]  }
0x28: {  	s2 =	sld [smem:$0x3FAF]  }
0x29: {  	s4 =	sld [smem:$0x3FB1]  }
0x2a: {  	p0 =	seq.s32 s5, $0x0;
	s5 =	sld [smem:$0x3FB2]  }
0x2b: {  	s6 =	sld [smem:$0x3FB3]  }
0x2c: {  	s7 =	sld [smem:$0x3FB4]  }
0x2d: {  	s3 =	simm.s32 $0x108;
	s8 =	sld [smem:$0x3FB5]  }
0x2e: {  	s3 =	simm.s32 @!p0 $0x1082;
	s9 =	sld [smem:$0x3FB6]  }
0x2f: {  	lr =	sadd.s32 s0, s3;
	s0 =	sld [smem:$0x3FAD]  }
0x30: {  	s3 =	sld [smem:$0x3FB0]  }
0x31: {  	[smem:$0x3FB9] =	sst s10  }
0x32: {  	s10 =	sld [smem:$0x3FB7];
	_ =	sdelay $0x3  }
0x33: {  	p0 =	seq.s32 s10, $0x1;
	s10 =	sld [smem:$0x3FB9];
	_ =	sdelay $0x3  }
0x34: {  	[smem:$0x3FB9] =	sst s10  }
0x35: {  	s10 =	sld [smem:$0x3FB8];
	_ =	sdelay $0x3  }
0x36: {  	p1 =	seq.s32 s10, $0x1;
	s10 =	sld [smem:$0x3FB9];
	_ =	sdelay $0x3  }
0x37: {  	[smem:$0x3FB9] =	sst s10  }
0x38: {  	s10 =	sld [smem:$0x3FBA]  }
0x39: {  	_ = 	snop;
	(pc) =	sbr.ind lr, $3  }
0x3a: {  	_ = 	snop  }
0x3b: {  	_ = 	snop  }
0x3c: {  	p2 =	seq.s32 s10, $0x1;
	s10 =	sld [smem:$0x3FB9]  }
0x3d: {  	_ =	shalt  }
0x3e: {  	_ =	shalt  }
0x3f: {  	_ =	shalt  }
0x40: {  	_ =	shalt  }
0x41: {  	_ =	shalt  }
0x42: {  	_ =	shalt  }
0x43: {  	_ =	shalt  }
0x44: {  	_ =	shalt  }
0x45: {  	_ =	shalt  }
0x46: {  	_ =	shalt  }
0x47: {  	_ =	shalt  }
0x48: {  	_ =	shalt  }
0x49: {  	_ =	shalt  }
0x4a: {  	_ =	shalt  }
0x4b: {  	_ =	shalt  }
0x4c: {  	_ =	shalt  }
0x4d: {  	_ =	shalt  }
0x4e: {  	_ =	shalt  }
0x4f: {  	_ =	shalt  }
0x50: {  	_ =	shalt  }
0x51: {  	_ =	shalt  }
0x52: {  	_ =	shalt  }
0x53: {  	_ =	shalt  }
0x54: {  	_ =	shalt  }
0x55: {  	_ =	shalt  }
0x56: {  	_ =	shalt  }
0x57: {  	_ =	shalt  }
0x58: {  	_ =	shalt  }
0x59: {  	_ =	shalt  }
0x5a: {  	_ =	shalt  }
0x5b: {  	_ =	shalt  }
0x5c: {  	_ =	shalt  }
0x5d: {  	_ =	shalt  }
0x5e: {  	_ =	shalt  }
0x5f: {  	_ =	shalt  }
0x60: {  	_ =	shalt  }
0x61: {  	_ =	shalt  }
0x62: {  	_ =	shalt  }
0x63: {  	_ =	shalt  }
0x64: {  	_ =	shalt  }
0x65: {  	_ =	shalt  }
0x66: {  	_ =	shalt  }
0x67: {  	_ =	shalt  }
0x68: {  	_ =	shalt  }
0x69: {  	_ =	shalt  }
0x6a: {  	_ =	shalt  }
0x6b: {  	_ =	shalt  }
0x6c: {  	_ =	shalt  }
0x6d: {  	_ =	shalt  }
0x6e: {  	_ =	shalt  }
0x6f: {  	_ =	shalt  }
0x70: {  	_ =	shalt  }
0x71: {  	_ =	shalt  }
0x72: {  	_ =	shalt  }
0x73: {  	_ =	shalt  }
0x74: {  	_ =	shalt  }
0x75: {  	_ =	shalt  }
0x76: {  	_ =	shalt  }
0x77: {  	_ =	shalt  }
0x78: {  	_ =	shalt  }
0x79: {  	_ =	shalt  }
0x7a: {  	_ =	shalt  }
0x7b: {  	_ =	shalt  }
0x7c: {  	_ =	shalt  }
0x7d: {  	_ =	shalt  }
0x7e: {  	_ =	shalt  }
0x7f: {  	_ =	shalt  }
0x80: {  	_ =	shalt  }
0x81: {  	_ =	shalt  }
0x82: {  	_ =	shalt  }
0x83: {  	_ =	shalt  }
0x84: {  	_ =	shalt  }
0x85: {  	_ =	shalt  }
0x86: {  	_ =	shalt  }
0x87: {  	_ =	shalt  }
.Lfunc_end0:
.L_simem_size_0:
called_computation_lowered:
.L_overlay_start_0:
0x88: {  	s2 =	sld [smem:$0x3FD9]  }
0x89: {  	s3 =	sld [smem:$0x3FFE];
	_ =	sdelay $0x1  }
0x8a: {  	s1 =	srdreg.scid  }
0x8b: {  	s0 =	sand.u32 $0x1, s1  }
0x8c: {  	s15 =	sshll.u32 s0, $0xA;
	s2 =	sadd.s32 s3, s2  }
0x8d: {  	s2 =	sadd.s32 s2, s15  }
0x8e: {  	[smem:$0x3FC5] =	sst s2  }
0x8f: {  	_ = 	snop  }
0x90: {  	s2 =	sld [smem:$0x3FD0]  }
0x91: {  	s16 =	sld [smem:$0x3FC9]  }
0x92: {  	s4 =	sld [smem:$0x3FC8]  }
0x93: {  	s6 =	simm.s32 $0xA;
	s7 =	simm.s32 $0x10;
	s5 =	sld [smem:$0x3FC7]  }
0x94: {  	[smem:s7], [sflag:s6] =	dma.local [hbm:s2], $0x1  }
0x95: {  	_ =	swait.eq [sflag:s6], $0x1  }
0x96: {  	[sflag:s6] =	ssyncset.done $0x0  }
0x97: {  	s17 =	sld [smem:$0x10];
	[sflag:s6] =	ssyncadd.s32 $0xFFFFFFFF  }
0x98: {  	s18 =	sld [smem:$0x11];
	(tm) =	ssettm $0x1  }
0x99: {  	s19 =	sld [smem:$0x3FFB];
	_ =	sdelay $0x3  }
0x9a: {  	_ =	strace s19  }
0x9b: {  	s7 =	sld [smem:$0x3FFC];
	_ =	sdelay $0x3  }
0x9c: {  	_ =	strace s7  }
0x9d: {  	s7 =	sld [smem:$0x3FFD];
	_ =	sdelay $0x3  }
0x9e: {  	_ =	strace s7  }
0x9f: {  	_ =	strace $0x8FFFFFFF  }
0xa0: {  	s20 =	sld [smem:$0x3FDB];
	_ =	sdelay $0x1  }
0xa1: {  	s8 =	simm.s32 $_scs_section_size  }
0xa2: {  	s9 =	simm.s32 $_size__tile_overlayer_lowered;
	s10 =	simm.s32 $_tile_overlayer_lowered  }
0xa3: {  	s23 =	simm.s32 $0x1BFF;
	s22 =	sshll.u32 s10, $0x1;
	s7 =	sadd.s32 s8, s20  }
0xa4: {  	s11 =	simm.s32 $0x0;
	s21 =	sshll.u32 s9, $0x1;
	s9 =	sadd.s32 s22, s7  }
0xa5: {  	[timem:s11], [sflag:s23] =	dma.local [hbm:s9], s21  }
0xa6: {  	_ =	swait.ge [sflag:s23], s21  }
0xa7: {  	s8 =	ssub.s32 $0x0, s21;
	[sflag:s23] =	ssyncset.done $0x0  }
0xa8: {  	[sflag:s23] =	ssyncadd.s32 s8;
	_ =	sdelay $0x1  }
0xa9: {  	s24 =	simm.s32 $0x1B8B  }
0xaa: {  	_ =	swait.ge [sflag:s24], $0x1  }
0xab: {  	[sflag:s24] =	ssyncset.done $0x0  }
0xac: {  	s25 =	simm.s32 $0x1B8E;
	[sflag:s24] =	ssyncadd.s32 $0xFFFFFFFF  }
0xad: {  	s26 =	simm.s32 $execute0_lowered;
	[smem:$0x3FD2] =	sst s25  }
0xae: {  	s8 =	sshll.u32 s26, $0x1;
	_ =	strace $0x80000046;
	[dreg:$0x1] =	wrdreg $0xFFFFFFFF  }
0xaf: {  	s28 =	simm.s32 $_size_execute0_lowered;
	s7 =	sadd.s32 s7, s8;
	[dreg:$0x0] =	wrdreg $0x0  }
0xb0: {  	s8 =	sshll.u32 s28, $0x1;
	[dreg:$0x2] =	wrdreg s7  }
0xb1: {  	[dreg:$0x3] =	wrdreg s8  }
0xb2: {  	[dreg:$0x4] =	wrdreg $0xC0  }
0xb3: {  	_ =	task [dreg:s11], $0x5FFFF  }
0xb4: {  	[dreg:$0x1] =	wrdreg $0xFFFFFFFF  }
0xb5: {  	[dreg:$0x0] =	wrdreg $0x60  }
0xb6: {  	[dreg:$0x2] =	wrdreg s16  }
0xb7: {  	[dreg:$0x3] =	wrdreg s4  }
0xb8: {  	[dreg:$0x4] =	wrdreg s5  }
0xb9: {  	[dreg:$0x5] =	wrdreg s17  }
0xba: {  	[dreg:$0x6] =	wrdreg s18  }
0xbb: {  	[dreg:$0x7] =	wrdreg $0x9  }
0xbc: {  	_ =	task.clear_ibuf [dreg:s11], $0x8FFFF;
	_ =	strace $0x90000046  }
0xbd: {  	s29 =	simm.s32 $0x9;
	_ =	strace $0x80000048  }
0xbe: {  	_ =	swait.ge [sflag:s29], $0x1  }
0xbf: {  	[sflag:s29] =	ssyncadd.s32 $0xFFFFFFFF  }
0xc0: {  	_ =	strace $0x90000048  }
0xc1: {  	_ =	sfence  }
0xc2: {  	s30 =	sld [smem:$0x0];
	_ =	sdelay $0x2  }
0xc3: {  	s31 =	sshll.u32 s1, $0xD;
	s1 =	sshrl.u32 s1, $0x2  }
0xc4: {  	s3 =	sand.u32 $0x4000, s31;
	s1 =	sadd.s32 s1, s30  }
0xc5: {  	s0 =	sor.u32 s3, s0;
	s1 =	sshll.u32 s1, $0x11  }
0xc6: {  	s0 =	sor.u32 s1, s0  }
0xc7: {  	s0 =	sadd.s32 $0x8F2B, s0  }
0xc8: {  	[sflag:s0] =	ssyncadd.remote.s32 $0x1  }
0xc9: {  	_ =	sfence.sel $0xFFFF  }
0xca: {  	[dreg:$0x0] =	wrdreg $0xFFFFFFFF;
	(pc) =	sbr.abs _section_cstart, $3  }
0xcb: {  	[dreg:$0x1] =	wrdreg $0xFFFFFFFF  }
0xcc: {  	_ =	task.clear_ibuf [dreg:s11], $0x2FFFF;
	_ =	strace $0x9FFFFFFF  }
0xcd: {  	(tm) =	ssettm $0x7FFFFFFF  }
tec
execute0_lowered:
.L_overlay_start_1:
0x0: {  	(tag) =	ssettag $0x1  }
0x1: {  	s0 =	rddreg [dreg:$0x0]  }
0x2: {  	s3 =	rddreg [dreg:$0x1]  }
0x3: {  	s4 =	rddreg [dreg:$0x2]  }
0x4: {  	s1 =	rddreg [dreg:$0x3]  }
0x5: {  	s5 =	rddreg [dreg:$0x4]  }
0x6: {  	s2 =	srdreg.scid;
	s7 =	stileid.u32  }
0x7: {  	s31 =	simm.s32 $0xD;
	s26 =	simm.s32 $0x4200;
	s14 =	simm.s32 $0x1  }
0x8: {  	s13 =	simm.s32 $0x4;
	s30 =	simm.s32 $0x100;
	s29 =	simm.s32 $0x2  }
0x9: {  	s28 =	simm.s32 $0x5;
	p0 =	por $0x0, $0x0;
	s17 =	simm.s32 $0xB  }
0xa: {  	s16 =	simm.s32 $0x9;
	s15 =	simm.s32 $0xC;
	s6 =	sand.u32 $0x1, s2  }
0xb: {  	s2 =	simm.s32 $0x0;
	s7 =	sshll.u32 s7, $0xA;
	s8 =	sshll.u32 s6, $0x9  }
0xc: {  	[smem:$0x7FF] =	sst s2;
	s6 =	ssub.s32 $0x2, s6;
	s7 =	sor.u32 s8, s7  }
0xd: {  	_ =	strace $0x80000047;
	s18 =	sshrl.u32 s6, $0x1;
	s8 =	sshrl.u32 s7, $0x3  }
0xe: {  	s7 =	sshll.u32 s7, $0x4;
	s12 =	ssub.s32 s6, s18;
	s18 =	simm.s32 $0x80  }
0xf: {  	s0 =	sadd.s32 s0, s8;
	s19 =	sadd.s32 s1, s7;
	s20 =	sadd.s32 s5, s7  }
0x10: {  	s9 =	sor.u32 $0x800, s7;
	s23 =	sor.u32 $0x1000, s7;
	[dreg:$0x6] =	wrdreg s0  }
0x11: {  	s24 =	sor.u32 $0x1800, s7;
	s25 =	smax.u32 s12, $0x1;
	[dreg:$0x7] =	wrdreg s19  }
0x12: {  	s12 =	simm.s32 $0x200;
	s7 =	simm.s32 $0x7;
	[dreg:$0x8] =	wrdreg s20  }
0x13: {  	s21 =	sadd.s32 s1, s9;
	s22 =	sadd.s32 s5, s9;
	s11 =	sadd.s32 s1, s23  }
0x14: {  	s10 =	sadd.s32 s5, s23;
	s8 =	sadd.s32 s1, s24;
	p1 =	sne.s32 s25, $0x1  }
.Ltmp0:
0x15: {  	s6 =	sadd.s32 s5, s24;
	s9 =	simm.s32 $0xC200;
	(pc) =	sbr.rel @!p1 .LBB2_3-.Ltmp0, $4  }
0x16: {  	s19 =	simm.s32 $0x14200;
	s5 =	simm.s32 $0xA;
	s24 =	simm.s32 $0x180  }
0x17: {  	s0 =	sadd.s32 $0xFFFFFFFF, s25;
	s25 =	simm.s32 $0x3;
	[dreg:$0x9] =	wrdreg s21  }
0x18: {  	s23 =	simm.s32 $0x6;
	s20 =	simm.s32 $0x8;
	[dreg:$0xa] =	wrdreg s22  }
0x19: {  	s22 =	simm.s32 $0x10200;
	s21 =	simm.s32 $0x8200;
	s1 =	rddreg [dreg:$0x6]  }
0x1a: {  	[tilespmem:s2], [sflag:$0xD] =	stream.linear.gather [hbm4b:s1+s2], $0x200, $0x38;
	[tilespmem:$0x18200] =	vst v63  }
0x1b: {  	_ =	swait.ge [sflag:s31], $0x200  }
0x1c: {  	[sflag:s31] =	ssyncset.done $0x0  }
0x1d: {  	[sflag:s31] =	ssyncadd.s32 $0xFFFFFE00  }
0x1e: {  	[tilespmem:s12], [sflag:$0x1] =	stream.indirect.gather [hbm4b:s3+s18], $0x80, s2, s18, $0xb8;
	[tilespmem:$0x18200] =	vst v63  }
0x1f: {  	_ = 	snop  }
0x20: {  	[tilespmem:s9], [sflag:$0x4] =	stream.indirect.gather [hbm4b:s4+s18], $0x80, s2, s18, $0xb8;
	[tilespmem:$0x18200] =	vst v63  }
0x21: {  	_ = 	snop  }
0x22: {  	[tilespmem:s26], [sflag:$0x2] =	stream.indirect.gather [hbm4b:s3+s18], $0x80, s18, s18, $0xb8;
	[tilespmem:$0x18200] =	vst v63  }
0x23: {  	_ = 	snop  }
0x24: {  	[tilespmem:s22], [sflag:$0x5] =	stream.indirect.gather [hbm4b:s4+s18], $0x80, s18, s18, $0xb8;
	[tilespmem:$0x18200] =	vst v63  }
0x25: {  	_ =	swait.ge [sflag:s14], $0x4000  }
0x26: {  	[sflag:s14] =	ssyncset.done $0x0  }
0x27: {  	s1 =	rddreg [dreg:$0x7];
	[sflag:s14] =	ssyncadd.s32 $0xFFFFC000  }
0x28: {  	[hbm4b:s1+s2] =	stream.linear.scatter [tilespmem:s12], [sflag:$0x7], $0x4000, $0x38;
	[tilespmem:$0x18200] =	vst v63  }
0x29: {  	_ =	swait.ge [sflag:s13], $0x4000  }
0x2a: {  	[sflag:s13] =	ssyncset.done $0x0  }
0x2b: {  	s1 =	rddreg [dreg:$0x8];
	[sflag:s13] =	ssyncadd.s32 $0xFFFFC000  }
0x2c: {  	[hbm4b:s1+s2] =	stream.linear.scatter [tilespmem:s9], [sflag:$0xA], $0x4000, $0x38;
	[tilespmem:$0x18200] =	vst v63  }
0x2d: {  	_ = 	snop  }
0x2e: {  	[tilespmem:s21], [sflag:$0x3] =	stream.indirect.gather [hbm4b:s3+s18], $0x80, s30, s18, $0xb8;
	[tilespmem:$0x18200] =	vst v63  }
0x2f: {  	_ = 	snop  }
0x30: {  	[tilespmem:s19], [sflag:$0x6] =	stream.indirect.gather [hbm4b:s4+s18], $0x80, s30, s18, $0xb8;
	[tilespmem:$0x18200] =	vst v63  }
0x31: {  	_ =	swait.ge [sflag:s29], $0x4000  }
0x32: {  	[sflag:s29] =	ssyncset.done $0x0  }
0x33: {  	s1 =	rddreg [dreg:$0x9];
	[sflag:s29] =	ssyncadd.s32 $0xFFFFC000  }
0x34: {  	[hbm4b:s1+s2] =	stream.linear.scatter [tilespmem:s26], [sflag:$0x8], $0x4000, $0x38;
	[tilespmem:$0x18200] =	vst v63  }
0x35: {  	_ =	swait.ge [sflag:s28], $0x4000  }
0x36: {  	[sflag:s28] =	ssyncset.done $0x0  }
0x37: {  	s1 =	rddreg [dreg:$0xa];
	[sflag:s28] =	ssyncadd.s32 $0xFFFFC000  }
0x38: {  	[hbm4b:s1+s2] =	stream.linear.scatter [tilespmem:s22], [sflag:$0xB], $0x4000, $0x38;
	[tilespmem:$0x18200] =	vst v63  }
0x39: {  	_ =	swait.ge [sflag:s7], $0x4000  }
0x3a: {  	[sflag:s7] =	ssyncset.done $0x0  }
0x3b: {  	[sflag:s7] =	ssyncadd.s32 $0xFFFFC000  }
0x3c: {  	_ =	swait.ge [sflag:s5], $0x4000  }
0x3d: {  	[sflag:s5] =	ssyncset.done $0x0  }
0x3e: {  	[sflag:s5] =	ssyncadd.s32 $0xFFFFC000  }
0x3f: {  	[tilespmem:s12], [sflag:$0x1] =	stream.indirect.gather [hbm4b:s3+s18], $0x80, s24, s18, $0xb8;
	[tilespmem:$0x18200] =	vst v63  }
0x40: {  	_ = 	snop  }
0x41: {  	[tilespmem:s9], [sflag:$0x4] =	stream.indirect.gather [hbm4b:s4+s18], $0x80, s24, s18, $0xb8;
	[tilespmem:$0x18200] =	vst v63  }
0x42: {  	_ =	swait.ge [sflag:s25], $0x4000  }
0x43: {  	[sflag:s25] =	ssyncset.done $0x0  }
0x44: {  	[sflag:s25] =	ssyncadd.s32 $0xFFFFC000  }
0x45: {  	[hbm4b:s11+s2] =	stream.linear.scatter [tilespmem:s21], [sflag:$0x9], $0x4000, $0x38;
	[tilespmem:$0x18200] =	vst v63  }
0x46: {  	_ =	swait.ge [sflag:s23], $0x4000  }
0x47: {  	[sflag:s23] =	ssyncset.done $0x0  }
0x48: {  	[sflag:s23] =	ssyncadd.s32 $0xFFFFC000  }
0x49: {  	[hbm4b:s10+s2] =	stream.linear.scatter [tilespmem:s19], [sflag:$0xC], $0x4000, $0x38;
	[tilespmem:$0x18200] =	vst v63  }
0x4a: {  	_ =	swait.ge [sflag:s14], $0x4000  }
0x4b: {  	[sflag:s14] =	ssyncset.done $0x0  }
0x4c: {  	[sflag:s14] =	ssyncadd.s32 $0xFFFFC000  }
0x4d: {  	[hbm4b:s8+s2] =	stream.linear.scatter [tilespmem:s12], [sflag:$0x7], $0x4000, $0x38;
	[tilespmem:$0x18200] =	vst v63  }
0x4e: {  	_ =	swait.ge [sflag:s13], $0x4000  }
0x4f: {  	[sflag:s13] =	ssyncset.done $0x0  }
0x50: {  	[sflag:s13] =	ssyncadd.s32 $0xFFFFC000  }
0x51: {  	[hbm4b:s6+s2] =	stream.linear.scatter [tilespmem:s9], [sflag:$0xA], $0x4000, $0x38;
	[tilespmem:$0x18200] =	vst v63  }
0x52: {  	_ =	swait.ge [sflag:s20], $0x4000  }
0x53: {  	[sflag:s20] =	ssyncset.done $0x0  }
0x54: {  	[sflag:s20] =	ssyncadd.s32 $0xFFFFC000  }
0x55: {  	_ =	swait.ge [sflag:s17], $0x4000  }
0x56: {  	[sflag:s17] =	ssyncset.done $0x0  }
0x57: {  	[sflag:s17] =	ssyncadd.s32 $0xFFFFC000  }
0x58: {  	_ =	swait.ge [sflag:s16], $0x4000  }
0x59: {  	[sflag:s16] =	ssyncset.done $0x0  }
0x5a: {  	[sflag:s16] =	ssyncadd.s32 $0xFFFFC000  }
0x5b: {  	_ =	swait.ge [sflag:s15], $0x4000  }
0x5c: {  	[sflag:s15] =	ssyncset.done $0x0  }
0x5d: {  	p1 =	sne.s32 s0, $0x1;
	[sflag:s15] =	ssyncadd.s32 $0xFFFFC000  }
.Ltmp1:
0x5e: {  	_ =	swait.ge [sflag:s7], $0x4000;
	(pc) =	sbr.rel @!p1 .LBB2_3-.Ltmp1, $4  }
0x5f: {  	[sflag:s7] =	ssyncset.done $0x0  }
0x60: {  	[sflag:s7] =	ssyncadd.s32 $0xFFFFC000  }
0x61: {  	s0 =	sadd.s32 $0xFFFFFFFF, s0;
	_ =	swait.ge [sflag:s5], $0x4000  }
0x62: {  	p0 =	por $0x1, $0x1;
	s1 =	rddreg [dreg:$0x6];
	[sflag:s5] =	ssyncset.done $0x0  }
.LBB2_2:
0x63: {  	[sflag:s5] =	ssyncadd.s32 $0xFFFFC000  }
0x64: {  	[tilespmem:s2], [sflag:$0xD] =	stream.linear.gather [hbm4b:s1+s2], $0x200, $0x38;
	[tilespmem:$0x18200] =	vst v63  }
0x65: {  	_ =	swait.ge [sflag:s31], $0x200  }
0x66: {  	[sflag:s31] =	ssyncset.done $0x0  }
0x67: {  	[sflag:s31] =	ssyncadd.s32 $0xFFFFFE00  }
0x68: {  	[tilespmem:s12], [sflag:$0x1] =	stream.indirect.gather [hbm4b:s3+s18], $0x80, s2, s18, $0xb8;
	[tilespmem:$0x18200] =	vst v63  }
0x69: {  	_ = 	snop  }
0x6a: {  	[tilespmem:s9], [sflag:$0x4] =	stream.indirect.gather [hbm4b:s4+s18], $0x80, s2, s18, $0xb8;
	[tilespmem:$0x18200] =	vst v63  }
0x6b: {  	_ = 	snop  }
0x6c: {  	[tilespmem:s26], [sflag:$0x2] =	stream.indirect.gather [hbm4b:s3+s18], $0x80, s18, s18, $0xb8;
	[tilespmem:$0x18200] =	vst v63  }
0x6d: {  	_ = 	snop  }
0x6e: {  	[tilespmem:s22], [sflag:$0x5] =	stream.indirect.gather [hbm4b:s4+s18], $0x80, s18, s18, $0xb8;
	[tilespmem:$0x18200] =	vst v63  }
0x6f: {  	_ =	swait.ge [sflag:s14], $0x4000  }
0x70: {  	[sflag:s14] =	ssyncset.done $0x0  }
0x71: {  	s1 =	rddreg [dreg:$0x7];
	[sflag:s14] =	ssyncadd.s32 $0xFFFFC000  }
0x72: {  	[hbm4b:s1+s2] =	stream.linear.scatter [tilespmem:s12], [sflag:$0x7], $0x4000, $0x38;
	[tilespmem:$0x18200] =	vst v63  }
0x73: {  	_ =	swait.ge [sflag:s13], $0x4000  }
0x74: {  	[sflag:s13] =	ssyncset.done $0x0  }
0x75: {  	s1 =	rddreg [dreg:$0x8];
	[sflag:s13] =	ssyncadd.s32 $0xFFFFC000  }
0x76: {  	[hbm4b:s1+s2] =	stream.linear.scatter [tilespmem:s9], [sflag:$0xA], $0x4000, $0x38;
	[tilespmem:$0x18200] =	vst v63  }
0x77: {  	_ = 	snop  }
0x78: {  	[tilespmem:s21], [sflag:$0x3] =	stream.indirect.gather [hbm4b:s3+s18], $0x80, s30, s18, $0xb8;
	[tilespmem:$0x18200] =	vst v63  }
0x79: {  	_ = 	snop  }
0x7a: {  	[tilespmem:s19], [sflag:$0x6] =	stream.indirect.gather [hbm4b:s4+s18], $0x80, s30, s18, $0xb8;
	[tilespmem:$0x18200] =	vst v63  }
0x7b: {  	_ =	swait.ge [sflag:s29], $0x4000  }
0x7c: {  	[sflag:s29] =	ssyncset.done $0x0  }
0x7d: {  	s1 =	rddreg [dreg:$0x9];
	[sflag:s29] =	ssyncadd.s32 $0xFFFFC000  }
0x7e: {  	[hbm4b:s1+s2] =	stream.linear.scatter [tilespmem:s26], [sflag:$0x8], $0x4000, $0x38;
	[tilespmem:$0x18200] =	vst v63  }
0x7f: {  	_ =	swait.ge [sflag:s28], $0x4000  }
0x80: {  	[sflag:s28] =	ssyncset.done $0x0  }
0x81: {  	s1 =	rddreg [dreg:$0xa];
	[sflag:s28] =	ssyncadd.s32 $0xFFFFC000  }
0x82: {  	[hbm4b:s1+s2] =	stream.linear.scatter [tilespmem:s22], [sflag:$0xB], $0x4000, $0x38;
	[tilespmem:$0x18200] =	vst v63  }
0x83: {  	_ =	swait.ge [sflag:s7], $0x4000  }
0x84: {  	[sflag:s7] =	ssyncset.done $0x0  }
0x85: {  	[sflag:s7] =	ssyncadd.s32 $0xFFFFC000  }
0x86: {  	_ =	swait.ge [sflag:s5], $0x4000  }
0x87: {  	[sflag:s5] =	ssyncset.done $0x0  }
0x88: {  	[sflag:s5] =	ssyncadd.s32 $0xFFFFC000  }
0x89: {  	[tilespmem:s12], [sflag:$0x1] =	stream.indirect.gather [hbm4b:s3+s18], $0x80, s24, s18, $0xb8;
	[tilespmem:$0x18200] =	vst v63  }
0x8a: {  	_ = 	snop  }
0x8b: {  	[tilespmem:s9], [sflag:$0x4] =	stream.indirect.gather [hbm4b:s4+s18], $0x80, s24, s18, $0xb8;
	[tilespmem:$0x18200] =	vst v63  }
0x8c: {  	_ =	swait.ge [sflag:s25], $0x4000  }
0x8d: {  	[sflag:s25] =	ssyncset.done $0x0  }
0x8e: {  	[sflag:s25] =	ssyncadd.s32 $0xFFFFC000  }
0x8f: {  	[hbm4b:s11+s2] =	stream.linear.scatter [tilespmem:s21], [sflag:$0x9], $0x4000, $0x38;
	[tilespmem:$0x18200] =	vst v63  }
0x90: {  	_ =	swait.ge [sflag:s23], $0x4000  }
0x91: {  	[sflag:s23] =	ssyncset.done $0x0  }
0x92: {  	[sflag:s23] =	ssyncadd.s32 $0xFFFFC000  }
0x93: {  	[hbm4b:s10+s2] =	stream.linear.scatter [tilespmem:s19], [sflag:$0xC], $0x4000, $0x38;
	[tilespmem:$0x18200] =	vst v63  }
0x94: {  	_ =	swait.ge [sflag:s14], $0x4000  }
0x95: {  	[sflag:s14] =	ssyncset.done $0x0  }
0x96: {  	[sflag:s14] =	ssyncadd.s32 $0xFFFFC000  }
0x97: {  	[hbm4b:s8+s2] =	stream.linear.scatter [tilespmem:s12], [sflag:$0x7], $0x4000, $0x38;
	[tilespmem:$0x18200] =	vst v63  }
0x98: {  	_ =	swait.ge [sflag:s13], $0x4000  }
0x99: {  	[sflag:s13] =	ssyncset.done $0x0  }
0x9a: {  	[sflag:s13] =	ssyncadd.s32 $0xFFFFC000  }
0x9b: {  	[hbm4b:s6+s2] =	stream.linear.scatter [tilespmem:s9], [sflag:$0xA], $0x4000, $0x38;
	[tilespmem:$0x18200] =	vst v63  }
0x9c: {  	_ =	swait.ge [sflag:s20], $0x4000  }
0x9d: {  	[sflag:s20] =	ssyncset.done $0x0  }
0x9e: {  	[sflag:s20] =	ssyncadd.s32 $0xFFFFC000  }
0x9f: {  	_ =	swait.ge [sflag:s17], $0x4000  }
0xa0: {  	[sflag:s17] =	ssyncset.done $0x0  }
0xa1: {  	[sflag:s17] =	ssyncadd.s32 $0xFFFFC000  }
0xa2: {  	_ =	swait.ge [sflag:s16], $0x4000  }
0xa3: {  	[sflag:s16] =	ssyncset.done $0x0  }
0xa4: {  	[sflag:s16] =	ssyncadd.s32 $0xFFFFC000  }
0xa5: {  	_ =	swait.ge [sflag:s15], $0x4000  }
0xa6: {  	[sflag:s15] =	ssyncset.done $0x0  }
0xa7: {  	p1 =	sne.s32 s0, $0x1;
	[sflag:s15] =	ssyncadd.s32 $0xFFFFC000  }
.Ltmp2:
0xa8: {  	_ =	swait.ge [sflag:s7], $0x4000;
	(pc) =	sbr.rel @p1 .LBB2_2-.Ltmp2, $4  }
0xa9: {  	[sflag:s7] =	ssyncset.done $0x0  }
0xaa: {  	[sflag:s7] =	ssyncadd.s32 $0xFFFFC000  }
0xab: {  	_ =	swait.ge [sflag:s5], $0x4000  }
0xac: {  	s0 =	sadd.s32 $0xFFFFFFFF, s0;
	s1 =	rddreg [dreg:$0x6];
	[sflag:s5] =	ssyncset.done $0x0  }
.LBB2_3:
0xad: {  	[sflag:s5] =	ssyncadd.s32 @p0 $0xFFFFC000  }
0xae: {  	[tilespmem:s2], [sflag:$0xD] =	stream.linear.gather [hbm4b:s1+s2], $0x200, $0x38;
	[tilespmem:$0x18200] =	vst v63  }
0xaf: {  	_ =	swait.ge [sflag:s31], $0x200  }
0xb0: {  	[sflag:s31] =	ssyncset.done $0x0  }
0xb1: {  	[sflag:s31] =	ssyncadd.s32 $0xFFFFFE00  }
0xb2: {  	[tilespmem:s12], [sflag:$0x1] =	stream.indirect.gather [hbm4b:s3+s18], $0x80, s2, s18, $0xb8;
	[tilespmem:$0x18200] =	vst v63  }
0xb3: {  	_ = 	snop  }
0xb4: {  	[tilespmem:s9], [sflag:$0x4] =	stream.indirect.gather [hbm4b:s4+s18], $0x80, s2, s18, $0xb8;
	[tilespmem:$0x18200] =	vst v63  }
0xb5: {  	_ = 	snop  }
0xb6: {  	[tilespmem:s26], [sflag:$0x2] =	stream.indirect.gather [hbm4b:s3+s18], $0x80, s18, s18, $0xb8;
	[tilespmem:$0x18200] =	vst v63  }
0xb7: {  	_ = 	snop  }
0xb8: {  	[tilespmem:s22], [sflag:$0x5] =	stream.indirect.gather [hbm4b:s4+s18], $0x80, s18, s18, $0xb8;
	[tilespmem:$0x18200] =	vst v63  }
0xb9: {  	_ =	swait.ge [sflag:s14], $0x4000  }
0xba: {  	[sflag:s14] =	ssyncset.done $0x0  }
0xbb: {  	s0 =	rddreg [dreg:$0x7];
	[sflag:s14] =	ssyncadd.s32 $0xFFFFC000  }
0xbc: {  	[hbm4b:s0+s2] =	stream.linear.scatter [tilespmem:s12], [sflag:$0x7], $0x4000, $0x38;
	[tilespmem:$0x18200] =	vst v63  }
0xbd: {  	_ =	swait.ge [sflag:s13], $0x4000  }
0xbe: {  	[sflag:s13] =	ssyncset.done $0x0  }
0xbf: {  	s31 =	rddreg [dreg:$0x8];
	[sflag:s13] =	ssyncadd.s32 $0xFFFFC000  }
0xc0: {  	[hbm4b:s31+s2] =	stream.linear.scatter [tilespmem:s9], [sflag:$0xA], $0x4000, $0x38;
	[tilespmem:$0x18200] =	vst v63  }
0xc1: {  	_ = 	snop  }
0xc2: {  	[tilespmem:s21], [sflag:$0x3] =	stream.indirect.gather [hbm4b:s3+s18], $0x80, s30, s18, $0xb8;
	[tilespmem:$0x18200] =	vst v63  }
0xc3: {  	_ = 	snop  }
0xc4: {  	[tilespmem:s19], [sflag:$0x6] =	stream.indirect.gather [hbm4b:s4+s18], $0x80, s30, s18, $0xb8;
	[tilespmem:$0x18200] =	vst v63  }
0xc5: {  	_ =	swait.ge [sflag:s29], $0x4000  }
0xc6: {  	[sflag:s29] =	ssyncset.done $0x0  }
0xc7: {  	s1 =	rddreg [dreg:$0x9];
	[sflag:s29] =	ssyncadd.s32 $0xFFFFC000  }
0xc8: {  	[hbm4b:s1+s2] =	stream.linear.scatter [tilespmem:s26], [sflag:$0x8], $0x4000, $0x38;
	[tilespmem:$0x18200] =	vst v63  }
0xc9: {  	_ =	swait.ge [sflag:s28], $0x4000  }
0xca: {  	[sflag:s28] =	ssyncset.done $0x0  }
0xcb: {  	s30 =	rddreg [dreg:$0xa];
	[sflag:s28] =	ssyncadd.s32 $0xFFFFC000  }
0xcc: {  	[hbm4b:s30+s2] =	stream.linear.scatter [tilespmem:s22], [sflag:$0xB], $0x4000, $0x38;
	[tilespmem:$0x18200] =	vst v63  }
0xcd: {  	_ =	swait.ge [sflag:s7], $0x4000  }
0xce: {  	[sflag:s7] =	ssyncset.done $0x0  }
0xcf: {  	[sflag:s7] =	ssyncadd.s32 $0xFFFFC000  }
0xd0: {  	_ =	swait.ge [sflag:s5], $0x4000  }
0xd1: {  	[sflag:s5] =	ssyncset.done $0x0  }
0xd2: {  	[sflag:s5] =	ssyncadd.s32 $0xFFFFC000  }
0xd3: {  	[tilespmem:s12], [sflag:$0x1] =	stream.indirect.gather [hbm4b:s3+s18], $0x80, s24, s18, $0xb8;
	[tilespmem:$0x18200] =	vst v63  }
0xd4: {  	_ = 	snop  }
0xd5: {  	[tilespmem:s9], [sflag:$0x4] =	stream.indirect.gather [hbm4b:s4+s18], $0x80, s24, s18, $0xb8;
	[tilespmem:$0x18200] =	vst v63  }
0xd6: {  	_ =	swait.ge [sflag:s25], $0x4000  }
0xd7: {  	[sflag:s25] =	ssyncset.done $0x0  }
0xd8: {  	[sflag:s25] =	ssyncadd.s32 $0xFFFFC000  }
0xd9: {  	[hbm4b:s11+s2] =	stream.linear.scatter [tilespmem:s21], [sflag:$0x9], $0x4000, $0x38;
	[tilespmem:$0x18200] =	vst v63  }
0xda: {  	_ =	swait.ge [sflag:s23], $0x4000  }
0xdb: {  	[sflag:s23] =	ssyncset.done $0x0  }
0xdc: {  	[sflag:s23] =	ssyncadd.s32 $0xFFFFC000  }
0xdd: {  	[hbm4b:s10+s2] =	stream.linear.scatter [tilespmem:s19], [sflag:$0xC], $0x4000, $0x38;
	[tilespmem:$0x18200] =	vst v63  }
0xde: {  	_ =	swait.ge [sflag:s14], $0x4000  }
0xdf: {  	[sflag:s14] =	ssyncset.done $0x0  }
0xe0: {  	[sflag:s14] =	ssyncadd.s32 $0xFFFFC000  }
0xe1: {  	[hbm4b:s8+s2] =	stream.linear.scatter [tilespmem:s12], [sflag:$0x7], $0x4000, $0x38;
	[tilespmem:$0x18200] =	vst v63  }
0xe2: {  	_ =	swait.ge [sflag:s13], $0x4000  }
0xe3: {  	[sflag:s13] =	ssyncset.done $0x0  }
0xe4: {  	[sflag:s13] =	ssyncadd.s32 $0xFFFFC000  }
0xe5: {  	[hbm4b:s6+s2] =	stream.linear.scatter [tilespmem:s9], [sflag:$0xA], $0x4000, $0x38;
	[tilespmem:$0x18200] =	vst v63  }
0xe6: {  	_ =	swait.ge [sflag:s20], $0x4000  }
0xe7: {  	[sflag:s20] =	ssyncset.done $0x0  }
0xe8: {  	[sflag:s20] =	ssyncadd.s32 $0xFFFFC000  }
0xe9: {  	_ =	swait.ge [sflag:s17], $0x4000  }
0xea: {  	[sflag:s17] =	ssyncset.done $0x0  }
0xeb: {  	[sflag:s17] =	ssyncadd.s32 $0xFFFFC000  }
0xec: {  	_ =	swait.ge [sflag:s16], $0x4000  }
0xed: {  	[sflag:s16] =	ssyncset.done $0x0  }
0xee: {  	[sflag:s16] =	ssyncadd.s32 $0xFFFFC000  }
0xef: {  	_ =	swait.ge [sflag:s15], $0x4000  }
0xf0: {  	[sflag:s15] =	ssyncset.done $0x0  }
0xf1: {  	[sflag:s15] =	ssyncadd.s32 $0xFFFFC000  }
0xf2: {  	_ =	swait.ge [sflag:s7], $0x4000  }
0xf3: {  	[sflag:s7] =	ssyncset.done $0x0  }
0xf4: {  	[sflag:s7] =	ssyncadd.s32 $0xFFFFC000  }
0xf5: {  	_ =	swait.ge [sflag:s5], $0x4000  }
0xf6: {  	[sflag:s5] =	ssyncset.done $0x0  }
0xf7: {  	[sflag:s5] =	ssyncadd.s32 $0xFFFFC000  }
0xf8: {  	_ =	sfence.sel $0x180000  }
0xf9: {  	[bflag:$0x0] =	sbarrier.arrive $0xFFFF  }
0xfa: {  	_ =	strace $0x90000047  }
0xfb: {  	s31 =	stileid.u32;
	[bflag:$0x2] =	sbarrier.arrive $0xFFFF  }
0xfc: {  	p0 =	sne.s32 s31, $0x0;
	s0 =	rddreg [dreg:$0x5]  }
0xfd: {  	s0 =	sadd.s32 @!p0 $0x100000, s0  }
0xfe: {  	[sflag:s0] =	ssyncadd.tile.s32 @!p0 $0x1;
	_ =	shalt  }
.Lfunc_end2:
_tile_overlayer_lowered:
.L_overlay_start_2:
0xff: {  	(tag) =	ssettag $0x2  }
0x100: {  	s0 =	rddreg [dreg:$0x0];
	s2 =	stileid.u32  }
0x101: {  	s1 =	rddreg [dreg:$0x1];
	p0 =	sne.s32 s2, $0x0  }
0x102: {  	s3 =	rddreg [dreg:$0x2];
	[bflag:$0x3] =	sbarrier.arrive $0xFFFF;
	s2 =	simm.s32 @!p0 $0x1C0D  }
0x103: {  	[timem:s3], [sflag:s2] =	dma.local @!p0 [hbm:s0], s1  }
0x104: {  	s0 =	simm.s32 @!p0 $0xD  }
0x105: {  	_ =	swait.ge @!p0 [sflag:s0], s1  }
0x106: {  	s1 =	ssub.s32 @!p0 $0x0, s1;
	[sflag:s0] =	ssyncset.done @!p0 $0x0  }
0x107: {  	[sflag:s0] =	ssyncadd.s32 @!p0 s1  }
0x108: {  	[bflag:$0x3] =	sbarrier.arrive $0xFFFF  }
0x109: {  	_ =	shalt  }

</sc_bundles>
